<compile_context>
chip_gen: v7x
topology: tpu7x:2x2x1
jax: 0.10.2.dev20260603
libtpu: 0.0.44.dev20260713+nightly
codegen_flags: <defaults>
</compile_context>

<pallas_src>
import functools

import jax
import jax.numpy as jnp
from jax import lax
from jax.experimental import pallas as pl
from jax.experimental.pallas import tpu as pltpu
from jax.experimental.pallas import tpu_sc as plsc


def kernel(embedded_features, targets, hsa):
    B, D = embedded_features.shape
    C = hsa.shape[0]
    info = plsc.get_sparse_core_info()
    NC, NS, L = info.num_cores, info.num_subcores, info.num_lanes
    NW = NC * NS
    b_per_w = B // NW

    mesh = plsc.VectorSubcoreMesh(core_axis_name="c", subcore_axis_name="s")

    @functools.partial(
        pl.kernel,
        mesh=mesh,
        compiler_params=pltpu.CompilerParams(needs_layout_passes=False),
        out_type=jax.ShapeDtypeStruct((NW, L), jnp.float32),
        scratch_types=[
            pltpu.VMEM((b_per_w,), jnp.int32),
            pltpu.VMEM((D, b_per_w), jnp.float32),
            pltpu.VMEM((D, C), jnp.float32),
            pltpu.VMEM((L,), jnp.float32),
            pltpu.SemaphoreType.DMA,
            pltpu.SemaphoreType.DMA,
            pltpu.SemaphoreType.DMA,
            pltpu.SemaphoreType.DMA,
        ],
    )
    def run(
        feat_hbm, tgt_hbm, hsa_hbm, out_hbm,
        idx_v, feat_v, tbl_v, acc_v, sem_t, sem_i, sem_f0, sem_f1,
    ):
        wid = lax.axis_index("s") * NC + lax.axis_index("c")
        base = wid * b_per_w
        half = b_per_w // 2
        ct = pltpu.async_copy(hsa_hbm, tbl_v, sem_t)
        ci = pltpu.async_copy(tgt_hbm.at[pl.ds(base, b_per_w)], idx_v, sem_i)
        cf0 = pltpu.async_copy(
            feat_hbm.at[:, pl.ds(base, half)], feat_v.at[:, pl.ds(0, half)], sem_f0
        )
        cf1 = pltpu.async_copy(
            feat_hbm.at[:, pl.ds(base + half, half)],
            feat_v.at[:, pl.ds(half, half)],
            sem_f1,
        )

        zero = jnp.zeros((L,), jnp.float32)
        n_acc = 8

        def make_loop(lo, hi, carry):
            @plsc.parallel_loop(lo, hi, step=L, carry=carry)
            def accs(k, accs):
                accs = list(accs)
                idx_vec = idx_v[pl.ds(k, L)]
                for d in range(D):
                    dvec = jnp.full((L,), d, jnp.int32)
                    tcol = plsc.load_gather(tbl_v, [dvec, idx_vec])
                    fcol = feat_v[d, pl.ds(k, L)]
                    diff = fcol - tcol
                    accs[d % n_acc] = accs[d % n_acc] + diff * diff
                return tuple(accs)

            return accs

        ct.wait()
        ci.wait()
        cf0.wait()
        cf1.wait()
        accs = make_loop(0, b_per_w, (zero,) * n_acc)

        acc = zero
        for a in accs:
            acc = acc + a
        acc_v[...] = acc
        pltpu.sync_copy(acc_v, out_hbm.at[wid])

    partials = run(embedded_features.T, targets.astype(jnp.int32), hsa.T)
    return jnp.sum(partials) / B

# --- scband reference (transcript-rebuilt; emitter-appended) ---
"""Pipeline reference for scband-lseloss-75350906241211 (READ-ONLY COPY).

The authoritative reference and input builder live on the scoring server;
editing this copy changes nothing except your own understanding.
"""

import jax, jax.numpy as jnp
import numpy as np

BATCH = 16384
NUM_CLASSES = 100
FEAT_DIM = 16


def setup_inputs(seed: int = 0) -> dict:
    key = jax.random.key(seed)
    k1, k2, k3 = jax.random.split(key, 3)
    embedded_features = jax.random.normal(k1, (BATCH, FEAT_DIM), dtype=jnp.float32)
    targets = jax.random.randint(k2, (BATCH,), 0, NUM_CLASSES, dtype=jnp.int64 if jax.config.jax_enable_x64 else jnp.int32)
    hsa = jax.random.normal(k3, (NUM_CLASSES, FEAT_DIM), dtype=jnp.float32)
    return {"embedded_features": embedded_features, "targets": targets, "hsa": hsa}


def reference(embedded_features, targets, hsa):
    # selected_hsa = self.hsa[targets]  -> gather rows by class index
    selected_hsa = jnp.take(hsa, targets, axis=0)
    # loss = sum((x - selected)^2) / batch_size
    loss = jnp.sum((embedded_features - selected_hsa) ** 2) / targets.shape[0]
    return loss

if __name__ == "__main__":
    import jax
    _d = setup_inputs()
    print(jax.jit(kernel)(*tuple(_d.values())))

</pallas_src>

<mosaic_0001>
#map = affine_map<(d0, d1) -> (0, 0)>
#map1 = affine_map<(d0, d1) -> (0)>
module attributes {stable_mosaic.version = 14 : i64} {
  func.func @run(%arg0: i32, %arg1: i32, %arg2: memref<16x16384xf32, #tpu.memory_space<hbm>>, %arg3: memref<16384xi32, #tpu.memory_space<hbm>>, %arg4: memref<16x100xf32, #tpu.memory_space<hbm>>, %arg5: memref<32x16xf32, #tpu.memory_space<hbm>>, %arg6: memref<512xi32, #tpu.memory_space<vmem>>, %arg7: memref<16x512xf32, #tpu.memory_space<vmem>>, %arg8: memref<16x100xf32, #tpu.memory_space<vmem>>, %arg9: memref<16xf32, #tpu.memory_space<vmem>>, %arg10: memref<!tpu.dma_semaphore, #tpu.memory_space<semaphore_mem>>, %arg11: memref<!tpu.dma_semaphore, #tpu.memory_space<semaphore_mem>>, %arg12: memref<!tpu.dma_semaphore, #tpu.memory_space<semaphore_mem>>, %arg13: memref<!tpu.dma_semaphore, #tpu.memory_space<semaphore_mem>>) attributes {dimension_semantics = [#tpu.dimension_semantics<core_parallel>, #tpu.dimension_semantics<subcore_parallel>], iteration_bounds = array<i64: 2, 16>, scalar_prefetch = 0 : i64, scratch_operands = 8 : i64, tpu.core_type = #tpu.core_type<sc_vector_subcore>, window_params = [{transform_indices = #map}, {transform_indices = #map1}, {transform_indices = #map}, {transform_indices = #map}]} {
    %mul3A = arith.constant 2 : i32
    %mul3A_0 = arith.muli %arg1, %mul3A : i32
    %add3A = arith.addi %mul3A_0, %arg0 : i32
    %mul3A_1 = arith.constant 512 : i32
    %mul3A_2 = arith.muli %add3A, %mul3A_1 : i32
    tpu.enqueue_dma source(%arg4 : memref<16x100xf32, #tpu.memory_space<hbm>>) target(%arg8 : memref<16x100xf32, #tpu.memory_space<vmem>>) target_semaphore(%arg10 : memref<!tpu.dma_semaphore, #tpu.memory_space<semaphore_mem>>)
    %dma_start3A = tpu.memref_slice %arg3[%mul3A_2] : memref<16384xi32, #tpu.memory_space<hbm>> -> memref<512xi32, #tpu.memory_space<hbm>>
    %dma_start3A_3 = tpu.memref_slice %arg3[%mul3A_2] : memref<16384xi32, #tpu.memory_space<hbm>> -> memref<512xi32, #tpu.memory_space<hbm>>
    tpu.enqueue_dma source(%dma_start3A_3 : memref<512xi32, #tpu.memory_space<hbm>>) target(%arg6 : memref<512xi32, #tpu.memory_space<vmem>>) target_semaphore(%arg11 : memref<!tpu.dma_semaphore, #tpu.memory_space<semaphore_mem>>)
    %dma_start3A_4 = arith.constant 0 : i32
    %dma_start3A_5 = arith.constant 0 : i32
    %dma_start3A_6 = tpu.memref_slice %arg7[%dma_start3A_4, %dma_start3A_5] : memref<16x512xf32, #tpu.memory_space<vmem>> -> memref<16x256xf32, #tpu.memory_space<vmem>>
    %dma_start3A_7 = arith.constant 0 : i32
    %dma_start3A_8 = tpu.memref_slice %arg2[%dma_start3A_7, %mul3A_2] : memref<16x16384xf32, #tpu.memory_space<hbm>> -> memref<16x256xf32, #tpu.memory_space<hbm>>
    %dma_start3A_9 = arith.constant 0 : i32
    %dma_start3A_10 = arith.constant 0 : i32
    %dma_start3A_11 = tpu.memref_slice %arg7[%dma_start3A_9, %dma_start3A_10] : memref<16x512xf32, #tpu.memory_space<vmem>> -> memref<16x256xf32, #tpu.memory_space<vmem>>
    %dma_start3A_12 = arith.constant 0 : i32
    %dma_start3A_13 = tpu.memref_slice %arg2[%dma_start3A_12, %mul3A_2] : memref<16x16384xf32, #tpu.memory_space<hbm>> -> memref<16x256xf32, #tpu.memory_space<hbm>>
    tpu.enqueue_dma source(%dma_start3A_13 : memref<16x256xf32, #tpu.memory_space<hbm>>) target(%dma_start3A_11 : memref<16x256xf32, #tpu.memory_space<vmem>>) target_semaphore(%arg12 : memref<!tpu.dma_semaphore, #tpu.memory_space<semaphore_mem>>)
    %add3A_14 = arith.constant 256 : i32
    %add3A_15 = arith.addi %mul3A_2, %add3A_14 : i32
    %dma_start3A_16 = arith.constant 0 : i32
    %dma_start3A_17 = arith.constant 256 : i32
    %dma_start3A_18 = tpu.memref_slice %arg7[%dma_start3A_16, %dma_start3A_17] : memref<16x512xf32, #tpu.memory_space<vmem>> -> memref<16x256xf32, #tpu.memory_space<vmem>>
    %dma_start3A_19 = arith.constant 0 : i32
    %dma_start3A_20 = tpu.memref_slice %arg2[%dma_start3A_19, %add3A_15] : memref<16x16384xf32, #tpu.memory_space<hbm>> -> memref<16x256xf32, #tpu.memory_space<hbm>>
    %dma_start3A_21 = arith.constant 0 : i32
    %dma_start3A_22 = arith.constant 256 : i32
    %dma_start3A_23 = tpu.memref_slice %arg7[%dma_start3A_21, %dma_start3A_22] : memref<16x512xf32, #tpu.memory_space<vmem>> -> memref<16x256xf32, #tpu.memory_space<vmem>>
    %dma_start3A_24 = arith.constant 0 : i32
    %dma_start3A_25 = tpu.memref_slice %arg2[%dma_start3A_24, %add3A_15] : memref<16x16384xf32, #tpu.memory_space<hbm>> -> memref<16x256xf32, #tpu.memory_space<hbm>>
    tpu.enqueue_dma source(%dma_start3A_25 : memref<16x256xf32, #tpu.memory_space<hbm>>) target(%dma_start3A_23 : memref<16x256xf32, #tpu.memory_space<vmem>>) target_semaphore(%arg13 : memref<!tpu.dma_semaphore, #tpu.memory_space<semaphore_mem>>)
    %broadcast_in_dim3A = arith.constant 0.000000e+00 : f32
    %broadcast_in_dim3A_26 = vector.broadcast %broadcast_in_dim3A : f32 to vector<16xf32>
    tpu.wait_dma2 semaphore(%arg10 : memref<!tpu.dma_semaphore, #tpu.memory_space<semaphore_mem>>) src(%arg4 : memref<16x100xf32, #tpu.memory_space<hbm>>) dst(%arg8 : memref<16x100xf32, #tpu.memory_space<vmem>>)
    %dma_wait3A = tpu.memref_slice %arg3[%mul3A_2] : memref<16384xi32, #tpu.memory_space<hbm>> -> memref<512xi32, #tpu.memory_space<hbm>>
    %dma_wait3A_27 = tpu.memref_slice %arg3[%mul3A_2] : memref<16384xi32, #tpu.memory_space<hbm>> -> memref<512xi32, #tpu.memory_space<hbm>>
    tpu.wait_dma2 semaphore(%arg11 : memref<!tpu.dma_semaphore, #tpu.memory_space<semaphore_mem>>) src(%dma_wait3A_27 : memref<512xi32, #tpu.memory_space<hbm>>) dst(%arg6 : memref<512xi32, #tpu.memory_space<vmem>>)
    %dma_wait3A_28 = arith.constant 0 : i32
    %dma_wait3A_29 = arith.constant 0 : i32
    %dma_wait3A_30 = tpu.memref_slice %arg7[%dma_wait3A_28, %dma_wait3A_29] : memref<16x512xf32, #tpu.memory_space<vmem>> -> memref<16x256xf32, #tpu.memory_space<vmem>>
    %dma_wait3A_31 = arith.constant 0 : i32
    %dma_wait3A_32 = tpu.memref_slice %arg2[%dma_wait3A_31, %mul3A_2] : memref<16x16384xf32, #tpu.memory_space<hbm>> -> memref<16x256xf32, #tpu.memory_space<hbm>>
    %dma_wait3A_33 = arith.constant 0 : i32
    %dma_wait3A_34 = arith.constant 0 : i32
    %dma_wait3A_35 = tpu.memref_slice %arg7[%dma_wait3A_33, %dma_wait3A_34] : memref<16x512xf32, #tpu.memory_space<vmem>> -> memref<16x256xf32, #tpu.memory_space<vmem>>
    %dma_wait3A_36 = arith.constant 0 : i32
    %dma_wait3A_37 = tpu.memref_slice %arg2[%dma_wait3A_36, %mul3A_2] : memref<16x16384xf32, #tpu.memory_space<hbm>> -> memref<16x256xf32, #tpu.memory_space<hbm>>
    tpu.wait_dma2 semaphore(%arg12 : memref<!tpu.dma_semaphore, #tpu.memory_space<semaphore_mem>>) src(%dma_wait3A_37 : memref<16x256xf32, #tpu.memory_space<hbm>>) dst(%dma_wait3A_35 : memref<16x256xf32, #tpu.memory_space<vmem>>)
    %dma_wait3A_38 = arith.constant 0 : i32
    %dma_wait3A_39 = arith.constant 256 : i32
    %dma_wait3A_40 = tpu.memref_slice %arg7[%dma_wait3A_38, %dma_wait3A_39] : memref<16x512xf32, #tpu.memory_space<vmem>> -> memref<16x256xf32, #tpu.memory_space<vmem>>
    %dma_wait3A_41 = arith.constant 0 : i32
    %dma_wait3A_42 = tpu.memref_slice %arg2[%dma_wait3A_41, %add3A_15] : memref<16x16384xf32, #tpu.memory_space<hbm>> -> memref<16x256xf32, #tpu.memory_space<hbm>>
    %dma_wait3A_43 = arith.constant 0 : i32
    %dma_wait3A_44 = arith.constant 256 : i32
    %dma_wait3A_45 = tpu.memref_slice %arg7[%dma_wait3A_43, %dma_wait3A_44] : memref<16x512xf32, #tpu.memory_space<vmem>> -> memref<16x256xf32, #tpu.memory_space<vmem>>
    %dma_wait3A_46 = arith.constant 0 : i32
    %dma_wait3A_47 = tpu.memref_slice %arg2[%dma_wait3A_46, %add3A_15] : memref<16x16384xf32, #tpu.memory_space<hbm>> -> memref<16x256xf32, #tpu.memory_space<hbm>>
    tpu.wait_dma2 semaphore(%arg13 : memref<!tpu.dma_semaphore, #tpu.memory_space<semaphore_mem>>) src(%dma_wait3A_47 : memref<16x256xf32, #tpu.memory_space<hbm>>) dst(%dma_wait3A_45 : memref<16x256xf32, #tpu.memory_space<vmem>>)
    %parallel_loop3A = arith.constant 0 : i32
    %parallel_loop3A_48 = arith.constant 512 : i32
    %parallel_loop3A_49 = arith.constant 16 : i32
    %parallel_loop3A_50:8 = scf.for %parallel_loop3A_60 = %parallel_loop3A to %parallel_loop3A_48 step %parallel_loop3A_49 iter_args(%parallel_loop3A_61 = %broadcast_in_dim3A_26, %parallel_loop3A_62 = %broadcast_in_dim3A_26, %parallel_loop3A_63 = %broadcast_in_dim3A_26, %parallel_loop3A_64 = %broadcast_in_dim3A_26, %parallel_loop3A_65 = %broadcast_in_dim3A_26, %parallel_loop3A_66 = %broadcast_in_dim3A_26, %parallel_loop3A_67 = %broadcast_in_dim3A_26, %parallel_loop3A_68 = %broadcast_in_dim3A_26) -> (vector<16xf32>, vector<16xf32>, vector<16xf32>, vector<16xf32>, vector<16xf32>, vector<16xf32>, vector<16xf32>, vector<16xf32>)  : i32 {
      %parallel_loop3A_69 = arith.index_cast %parallel_loop3A_60 : i32 to index
      %parallel_loop3A_70 = tpu.vector_load %arg6[%parallel_loop3A_69] {strides = array<i32>} : memref<512xi32, #tpu.memory_space<vmem>>, vector<16xi32>,
      %parallel_loop3A_71 = arith.constant 0 : i32
      %parallel_loop3A_72 = vector.broadcast %parallel_loop3A_71 : i32 to vector<16xi32>
      %parallel_loop3A_73 = tpu.vector_load_idx %arg8[%parallel_loop3A_72, %parallel_loop3A_70] : memref<16x100xf32, #tpu.memory_space<vmem>>[vector<16xi32>, vector<16xi32>], vector<16xf32>,
      %parallel_loop3A_74 = arith.constant 0 : i32
      %parallel_loop3A_75 = arith.index_cast %parallel_loop3A_74 : i32 to index
      %parallel_loop3A_76 = arith.index_cast %parallel_loop3A_60 : i32 to index
      %parallel_loop3A_77 = tpu.vector_load %arg7[%parallel_loop3A_75, %parallel_loop3A_76] {strides = array<i32>} : memref<16x512xf32, #tpu.memory_space<vmem>>, vector<16xf32>,
      %parallel_loop3A_78 = arith.subf %parallel_loop3A_77, %parallel_loop3A_73 : vector<16xf32>
      %parallel_loop3A_79 = arith.mulf %parallel_loop3A_78, %parallel_loop3A_78 : vector<16xf32>
      %parallel_loop3A_80 = arith.addf %parallel_loop3A_61, %parallel_loop3A_79 : vector<16xf32>
      %parallel_loop3A_81 = arith.constant 1 : i32
      %parallel_loop3A_82 = vector.broadcast %parallel_loop3A_81 : i32 to vector<16xi32>
      %parallel_loop3A_83 = tpu.vector_load_idx %arg8[%parallel_loop3A_82, %parallel_loop3A_70] : memref<16x100xf32, #tpu.memory_space<vmem>>[vector<16xi32>, vector<16xi32>], vector<16xf32>,
      %parallel_loop3A_84 = arith.constant 1 : i32
      %parallel_loop3A_85 = arith.index_cast %parallel_loop3A_84 : i32 to index
      %parallel_loop3A_86 = arith.index_cast %parallel_loop3A_60 : i32 to index
      %parallel_loop3A_87 = tpu.vector_load %arg7[%parallel_loop3A_85, %parallel_loop3A_86] {strides = array<i32>} : memref<16x512xf32, #tpu.memory_space<vmem>>, vector<16xf32>,
      %parallel_loop3A_88 = arith.subf %parallel_loop3A_87, %parallel_loop3A_83 : vector<16xf32>
      %parallel_loop3A_89 = arith.mulf %parallel_loop3A_88, %parallel_loop3A_88 : vector<16xf32>
      %parallel_loop3A_90 = arith.addf %parallel_loop3A_62, %parallel_loop3A_89 : vector<16xf32>
      %parallel_loop3A_91 = arith.constant 2 : i32
      %parallel_loop3A_92 = vector.broadcast %parallel_loop3A_91 : i32 to vector<16xi32>
      %parallel_loop3A_93 = tpu.vector_load_idx %arg8[%parallel_loop3A_92, %parallel_loop3A_70] : memref<16x100xf32, #tpu.memory_space<vmem>>[vector<16xi32>, vector<16xi32>], vector<16xf32>,
      %parallel_loop3A_94 = arith.constant 2 : i32
      %parallel_loop3A_95 = arith.index_cast %parallel_loop3A_94 : i32 to index
      %parallel_loop3A_96 = arith.index_cast %parallel_loop3A_60 : i32 to index
      %parallel_loop3A_97 = tpu.vector_load %arg7[%parallel_loop3A_95, %parallel_loop3A_96] {strides = array<i32>} : memref<16x512xf32, #tpu.memory_space<vmem>>, vector<16xf32>,
      %parallel_loop3A_98 = arith.subf %parallel_loop3A_97, %parallel_loop3A_93 : vector<16xf32>
      %parallel_loop3A_99 = arith.mulf %parallel_loop3A_98, %parallel_loop3A_98 : vector<16xf32>
      %parallel_loop3A_100 = arith.addf %parallel_loop3A_63, %parallel_loop3A_99 : vector<16xf32>
      %parallel_loop3A_101 = arith.constant 3 : i32
      %parallel_loop3A_102 = vector.broadcast %parallel_loop3A_101 : i32 to vector<16xi32>
      %parallel_loop3A_103 = tpu.vector_load_idx %arg8[%parallel_loop3A_102, %parallel_loop3A_70] : memref<16x100xf32, #tpu.memory_space<vmem>>[vector<16xi32>, vector<16xi32>], vector<16xf32>,
      %parallel_loop3A_104 = arith.constant 3 : i32
      %parallel_loop3A_105 = arith.index_cast %parallel_loop3A_104 : i32 to index
      %parallel_loop3A_106 = arith.index_cast %parallel_loop3A_60 : i32 to index
      %parallel_loop3A_107 = tpu.vector_load %arg7[%parallel_loop3A_105, %parallel_loop3A_106] {strides = array<i32>} : memref<16x512xf32, #tpu.memory_space<vmem>>, vector<16xf32>,
      %parallel_loop3A_108 = arith.subf %parallel_loop3A_107, %parallel_loop3A_103 : vector<16xf32>
      %parallel_loop3A_109 = arith.mulf %parallel_loop3A_108, %parallel_loop3A_108 : vector<16xf32>
      %parallel_loop3A_110 = arith.addf %parallel_loop3A_64, %parallel_loop3A_109 : vector<16xf32>
      %parallel_loop3A_111 = arith.constant 4 : i32
      %parallel_loop3A_112 = vector.broadcast %parallel_loop3A_111 : i32 to vector<16xi32>
      %parallel_loop3A_113 = tpu.vector_load_idx %arg8[%parallel_loop3A_112, %parallel_loop3A_70] : memref<16x100xf32, #tpu.memory_space<vmem>>[vector<16xi32>, vector<16xi32>], vector<16xf32>,
      %parallel_loop3A_114 = arith.constant 4 : i32
      %parallel_loop3A_115 = arith.index_cast %parallel_loop3A_114 : i32 to index
      %parallel_loop3A_116 = arith.index_cast %parallel_loop3A_60 : i32 to index
      %parallel_loop3A_117 = tpu.vector_load %arg7[%parallel_loop3A_115, %parallel_loop3A_116] {strides = array<i32>} : memref<16x512xf32, #tpu.memory_space<vmem>>, vector<16xf32>,
      %parallel_loop3A_118 = arith.subf %parallel_loop3A_117, %parallel_loop3A_113 : vector<16xf32>
      %parallel_loop3A_119 = arith.mulf %parallel_loop3A_118, %parallel_loop3A_118 : vector<16xf32>
      %parallel_loop3A_120 = arith.addf %parallel_loop3A_65, %parallel_loop3A_119 : vector<16xf32>
      %parallel_loop3A_121 = arith.constant 5 : i32
      %parallel_loop3A_122 = vector.broadcast %parallel_loop3A_121 : i32 to vector<16xi32>
      %parallel_loop3A_123 = tpu.vector_load_idx %arg8[%parallel_loop3A_122, %parallel_loop3A_70] : memref<16x100xf32, #tpu.memory_space<vmem>>[vector<16xi32>, vector<16xi32>], vector<16xf32>,
      %parallel_loop3A_124 = arith.constant 5 : i32
      %parallel_loop3A_125 = arith.index_cast %parallel_loop3A_124 : i32 to index
      %parallel_loop3A_126 = arith.index_cast %parallel_loop3A_60 : i32 to index
      %parallel_loop3A_127 = tpu.vector_load %arg7[%parallel_loop3A_125, %parallel_loop3A_126] {strides = array<i32>} : memref<16x512xf32, #tpu.memory_space<vmem>>, vector<16xf32>,
      %parallel_loop3A_128 = arith.subf %parallel_loop3A_127, %parallel_loop3A_123 : vector<16xf32>
      %parallel_loop3A_129 = arith.mulf %parallel_loop3A_128, %parallel_loop3A_128 : vector<16xf32>
      %parallel_loop3A_130 = arith.addf %parallel_loop3A_66, %parallel_loop3A_129 : vector<16xf32>
      %parallel_loop3A_131 = arith.constant 6 : i32
      %parallel_loop3A_132 = vector.broadcast %parallel_loop3A_131 : i32 to vector<16xi32>
      %parallel_loop3A_133 = tpu.vector_load_idx %arg8[%parallel_loop3A_132, %parallel_loop3A_70] : memref<16x100xf32, #tpu.memory_space<vmem>>[vector<16xi32>, vector<16xi32>], vector<16xf32>,
      %parallel_loop3A_134 = arith.constant 6 : i32
      %parallel_loop3A_135 = arith.index_cast %parallel_loop3A_134 : i32 to index
      %parallel_loop3A_136 = arith.index_cast %parallel_loop3A_60 : i32 to index
      %parallel_loop3A_137 = tpu.vector_load %arg7[%parallel_loop3A_135, %parallel_loop3A_136] {strides = array<i32>} : memref<16x512xf32, #tpu.memory_space<vmem>>, vector<16xf32>,
      %parallel_loop3A_138 = arith.subf %parallel_loop3A_137, %parallel_loop3A_133 : vector<16xf32>
      %parallel_loop3A_139 = arith.mulf %parallel_loop3A_138, %parallel_loop3A_138 : vector<16xf32>
      %parallel_loop3A_140 = arith.addf %parallel_loop3A_67, %parallel_loop3A_139 : vector<16xf32>
      %parallel_loop3A_141 = arith.constant 7 : i32
      %parallel_loop3A_142 = vector.broadcast %parallel_loop3A_141 : i32 to vector<16xi32>
      %parallel_loop3A_143 = tpu.vector_load_idx %arg8[%parallel_loop3A_142, %parallel_loop3A_70] : memref<16x100xf32, #tpu.memory_space<vmem>>[vector<16xi32>, vector<16xi32>], vector<16xf32>,
      %parallel_loop3A_144 = arith.constant 7 : i32
      %parallel_loop3A_145 = arith.index_cast %parallel_loop3A_144 : i32 to index
      %parallel_loop3A_146 = arith.index_cast %parallel_loop3A_60 : i32 to index
      %parallel_loop3A_147 = tpu.vector_load %arg7[%parallel_loop3A_145, %parallel_loop3A_146] {strides = array<i32>} : memref<16x512xf32, #tpu.memory_space<vmem>>, vector<16xf32>,
      %parallel_loop3A_148 = arith.subf %parallel_loop3A_147, %parallel_loop3A_143 : vector<16xf32>
      %parallel_loop3A_149 = arith.mulf %parallel_loop3A_148, %parallel_loop3A_148 : vector<16xf32>
      %parallel_loop3A_150 = arith.addf %parallel_loop3A_68, %parallel_loop3A_149 : vector<16xf32>
      %parallel_loop3A_151 = arith.constant 8 : i32
      %parallel_loop3A_152 = vector.broadcast %parallel_loop3A_151 : i32 to vector<16xi32>
      %parallel_loop3A_153 = tpu.vector_load_idx %arg8[%parallel_loop3A_152, %parallel_loop3A_70] : memref<16x100xf32, #tpu.memory_space<vmem>>[vector<16xi32>, vector<16xi32>], vector<16xf32>,
      %parallel_loop3A_154 = arith.constant 8 : i32
      %parallel_loop3A_155 = arith.index_cast %parallel_loop3A_154 : i32 to index
      %parallel_loop3A_156 = arith.index_cast %parallel_loop3A_60 : i32 to index
      %parallel_loop3A_157 = tpu.vector_load %arg7[%parallel_loop3A_155, %parallel_loop3A_156] {strides = array<i32>} : memref<16x512xf32, #tpu.memory_space<vmem>>, vector<16xf32>,
      %parallel_loop3A_158 = arith.subf %parallel_loop3A_157, %parallel_loop3A_153 : vector<16xf32>
      %parallel_loop3A_159 = arith.mulf %parallel_loop3A_158, %parallel_loop3A_158 : vector<16xf32>
      %parallel_loop3A_160 = arith.addf %parallel_loop3A_80, %parallel_loop3A_159 : vector<16xf32>
      %parallel_loop3A_161 = arith.constant 9 : i32
      %parallel_loop3A_162 = vector.broadcast %parallel_loop3A_161 : i32 to vector<16xi32>
      %parallel_loop3A_163 = tpu.vector_load_idx %arg8[%parallel_loop3A_162, %parallel_loop3A_70] : memref<16x100xf32, #tpu.memory_space<vmem>>[vector<16xi32>, vector<16xi32>], vector<16xf32>,
      %parallel_loop3A_164 = arith.constant 9 : i32
      %parallel_loop3A_165 = arith.index_cast %parallel_loop3A_164 : i32 to index
      %parallel_loop3A_166 = arith.index_cast %parallel_loop3A_60 : i32 to index
      %parallel_loop3A_167 = tpu.vector_load %arg7[%parallel_loop3A_165, %parallel_loop3A_166] {strides = array<i32>} : memref<16x512xf32, #tpu.memory_space<vmem>>, vector<16xf32>,
      %parallel_loop3A_168 = arith.subf %parallel_loop3A_167, %parallel_loop3A_163 : vector<16xf32>
      %parallel_loop3A_169 = arith.mulf %parallel_loop3A_168, %parallel_loop3A_168 : vector<16xf32>
      %parallel_loop3A_170 = arith.addf %parallel_loop3A_90, %parallel_loop3A_169 : vector<16xf32>
      %parallel_loop3A_171 = arith.constant 10 : i32
      %parallel_loop3A_172 = vector.broadcast %parallel_loop3A_171 : i32 to vector<16xi32>
      %parallel_loop3A_173 = tpu.vector_load_idx %arg8[%parallel_loop3A_172, %parallel_loop3A_70] : memref<16x100xf32, #tpu.memory_space<vmem>>[vector<16xi32>, vector<16xi32>], vector<16xf32>,
      %parallel_loop3A_174 = arith.constant 10 : i32
      %parallel_loop3A_175 = arith.index_cast %parallel_loop3A_174 : i32 to index
      %parallel_loop3A_176 = arith.index_cast %parallel_loop3A_60 : i32 to index
      %parallel_loop3A_177 = tpu.vector_load %arg7[%parallel_loop3A_175, %parallel_loop3A_176] {strides = array<i32>} : memref<16x512xf32, #tpu.memory_space<vmem>>, vector<16xf32>,
      %parallel_loop3A_178 = arith.subf %parallel_loop3A_177, %parallel_loop3A_173 : vector<16xf32>
      %parallel_loop3A_179 = arith.mulf %parallel_loop3A_178, %parallel_loop3A_178 : vector<16xf32>
      %parallel_loop3A_180 = arith.addf %parallel_loop3A_100, %parallel_loop3A_179 : vector<16xf32>
      %parallel_loop3A_181 = arith.constant 11 : i32
      %parallel_loop3A_182 = vector.broadcast %parallel_loop3A_181 : i32 to vector<16xi32>
      %parallel_loop3A_183 = tpu.vector_load_idx %arg8[%parallel_loop3A_182, %parallel_loop3A_70] : memref<16x100xf32, #tpu.memory_space<vmem>>[vector<16xi32>, vector<16xi32>], vector<16xf32>,
      %parallel_loop3A_184 = arith.constant 11 : i32
      %parallel_loop3A_185 = arith.index_cast %parallel_loop3A_184 : i32 to index
      %parallel_loop3A_186 = arith.index_cast %parallel_loop3A_60 : i32 to index
      %parallel_loop3A_187 = tpu.vector_load %arg7[%parallel_loop3A_185, %parallel_loop3A_186] {strides = array<i32>} : memref<16x512xf32, #tpu.memory_space<vmem>>, vector<16xf32>,
      %parallel_loop3A_188 = arith.subf %parallel_loop3A_187, %parallel_loop3A_183 : vector<16xf32>
      %parallel_loop3A_189 = arith.mulf %parallel_loop3A_188, %parallel_loop3A_188 : vector<16xf32>
      %parallel_loop3A_190 = arith.addf %parallel_loop3A_110, %parallel_loop3A_189 : vector<16xf32>
      %parallel_loop3A_191 = arith.constant 12 : i32
      %parallel_loop3A_192 = vector.broadcast %parallel_loop3A_191 : i32 to vector<16xi32>
      %parallel_loop3A_193 = tpu.vector_load_idx %arg8[%parallel_loop3A_192, %parallel_loop3A_70] : memref<16x100xf32, #tpu.memory_space<vmem>>[vector<16xi32>, vector<16xi32>], vector<16xf32>,
      %parallel_loop3A_194 = arith.constant 12 : i32
      %parallel_loop3A_195 = arith.index_cast %parallel_loop3A_194 : i32 to index
      %parallel_loop3A_196 = arith.index_cast %parallel_loop3A_60 : i32 to index
      %parallel_loop3A_197 = tpu.vector_load %arg7[%parallel_loop3A_195, %parallel_loop3A_196] {strides = array<i32>} : memref<16x512xf32, #tpu.memory_space<vmem>>, vector<16xf32>,
      %parallel_loop3A_198 = arith.subf %parallel_loop3A_197, %parallel_loop3A_193 : vector<16xf32>
      %parallel_loop3A_199 = arith.mulf %parallel_loop3A_198, %parallel_loop3A_198 : vector<16xf32>
      %parallel_loop3A_200 = arith.addf %parallel_loop3A_120, %parallel_loop3A_199 : vector<16xf32>
      %parallel_loop3A_201 = arith.constant 13 : i32
      %parallel_loop3A_202 = vector.broadcast %parallel_loop3A_201 : i32 to vector<16xi32>
      %parallel_loop3A_203 = tpu.vector_load_idx %arg8[%parallel_loop3A_202, %parallel_loop3A_70] : memref<16x100xf32, #tpu.memory_space<vmem>>[vector<16xi32>, vector<16xi32>], vector<16xf32>,
      %parallel_loop3A_204 = arith.constant 13 : i32
      %parallel_loop3A_205 = arith.index_cast %parallel_loop3A_204 : i32 to index
      %parallel_loop3A_206 = arith.index_cast %parallel_loop3A_60 : i32 to index
      %parallel_loop3A_207 = tpu.vector_load %arg7[%parallel_loop3A_205, %parallel_loop3A_206] {strides = array<i32>} : memref<16x512xf32, #tpu.memory_space<vmem>>, vector<16xf32>,
      %parallel_loop3A_208 = arith.subf %parallel_loop3A_207, %parallel_loop3A_203 : vector<16xf32>
      %parallel_loop3A_209 = arith.mulf %parallel_loop3A_208, %parallel_loop3A_208 : vector<16xf32>
      %parallel_loop3A_210 = arith.addf %parallel_loop3A_130, %parallel_loop3A_209 : vector<16xf32>
      %parallel_loop3A_211 = arith.constant 14 : i32
      %parallel_loop3A_212 = vector.broadcast %parallel_loop3A_211 : i32 to vector<16xi32>
      %parallel_loop3A_213 = tpu.vector_load_idx %arg8[%parallel_loop3A_212, %parallel_loop3A_70] : memref<16x100xf32, #tpu.memory_space<vmem>>[vector<16xi32>, vector<16xi32>], vector<16xf32>,
      %parallel_loop3A_214 = arith.constant 14 : i32
      %parallel_loop3A_215 = arith.index_cast %parallel_loop3A_214 : i32 to index
      %parallel_loop3A_216 = arith.index_cast %parallel_loop3A_60 : i32 to index
      %parallel_loop3A_217 = tpu.vector_load %arg7[%parallel_loop3A_215, %parallel_loop3A_216] {strides = array<i32>} : memref<16x512xf32, #tpu.memory_space<vmem>>, vector<16xf32>,
      %parallel_loop3A_218 = arith.subf %parallel_loop3A_217, %parallel_loop3A_213 : vector<16xf32>
      %parallel_loop3A_219 = arith.mulf %parallel_loop3A_218, %parallel_loop3A_218 : vector<16xf32>
      %parallel_loop3A_220 = arith.addf %parallel_loop3A_140, %parallel_loop3A_219 : vector<16xf32>
      %parallel_loop3A_221 = arith.constant 15 : i32
      %parallel_loop3A_222 = vector.broadcast %parallel_loop3A_221 : i32 to vector<16xi32>
      %parallel_loop3A_223 = tpu.vector_load_idx %arg8[%parallel_loop3A_222, %parallel_loop3A_70] : memref<16x100xf32, #tpu.memory_space<vmem>>[vector<16xi32>, vector<16xi32>], vector<16xf32>,
      %parallel_loop3A_224 = arith.constant 15 : i32
      %parallel_loop3A_225 = arith.index_cast %parallel_loop3A_224 : i32 to index
      %parallel_loop3A_226 = arith.index_cast %parallel_loop3A_60 : i32 to index
      %parallel_loop3A_227 = tpu.vector_load %arg7[%parallel_loop3A_225, %parallel_loop3A_226] {strides = array<i32>} : memref<16x512xf32, #tpu.memory_space<vmem>>, vector<16xf32>,
      %parallel_loop3A_228 = arith.subf %parallel_loop3A_227, %parallel_loop3A_223 : vector<16xf32>
      %parallel_loop3A_229 = arith.mulf %parallel_loop3A_228, %parallel_loop3A_228 : vector<16xf32>
      %parallel_loop3A_230 = arith.addf %parallel_loop3A_150, %parallel_loop3A_229 : vector<16xf32>
      scf.yield %parallel_loop3A_160, %parallel_loop3A_170, %parallel_loop3A_180, %parallel_loop3A_190, %parallel_loop3A_200, %parallel_loop3A_210, %parallel_loop3A_220, %parallel_loop3A_230 : vector<16xf32>, vector<16xf32>, vector<16xf32>, vector<16xf32>, vector<16xf32>, vector<16xf32>, vector<16xf32>, vector<16xf32>
    } {sc.loop_unroll_factor = 1 : i64, sc.parallel_access}
    %add3A_51 = arith.addf %broadcast_in_dim3A_26, %parallel_loop3A_50#0 : vector<16xf32>
    %add3A_52 = arith.addf %add3A_51, %parallel_loop3A_50#1 : vector<16xf32>
    %add3A_53 = arith.addf %add3A_52, %parallel_loop3A_50#2 : vector<16xf32>
    %add3A_54 = arith.addf %add3A_53, %parallel_loop3A_50#3 : vector<16xf32>
    %add3A_55 = arith.addf %add3A_54, %parallel_loop3A_50#4 : vector<16xf32>
    %add3A_56 = arith.addf %add3A_55, %parallel_loop3A_50#5 : vector<16xf32>
    %add3A_57 = arith.addf %add3A_56, %parallel_loop3A_50#6 : vector<16xf32>
    %add3A_58 = arith.addf %add3A_57, %parallel_loop3A_50#7 : vector<16xf32>
    %swap3A = arith.constant 0 : index
    %swap3A_59 = tpu.vector_load %arg9[%swap3A] {strides = array<i32>} : memref<16xf32, #tpu.memory_space<vmem>>, vector<16xf32>,
    tpu.vector_store %arg9[%swap3A], %add3A_58 {strides = array<i32>} : memref<16xf32, #tpu.memory_space<vmem>>, vector<16xf32>,
    "tpu.region"() ({
      %run_scoped3A = tpu.sem_alloc : memref<!tpu.dma_semaphore, #tpu.memory_space<semaphore_mem>>
      %dma_start3A_60 = arith.constant 0 : i32
      %dma_start3A_61 = tpu.memref_slice %arg5[%add3A, %dma_start3A_60] : memref<32x16xf32, #tpu.memory_space<hbm>> -> memref<1x16xf32, #tpu.memory_space<hbm>>
      %dma_start3A_62 = tpu.memref_squeeze %dma_start3A_61 : memref<1x16xf32, #tpu.memory_space<hbm>> -> memref<16xf32, #tpu.memory_space<hbm>>
      %dma_start3A_63 = arith.constant 0 : i32
      %dma_start3A_64 = tpu.memref_slice %arg5[%add3A, %dma_start3A_63] : memref<32x16xf32, #tpu.memory_space<hbm>> -> memref<1x16xf32, #tpu.memory_space<hbm>>
      %dma_start3A_65 = tpu.memref_squeeze %dma_start3A_64 : memref<1x16xf32, #tpu.memory_space<hbm>> -> memref<16xf32, #tpu.memory_space<hbm>>
      tpu.enqueue_dma source(%arg9 : memref<16xf32, #tpu.memory_space<vmem>>) target(%dma_start3A_65 : memref<16xf32, #tpu.memory_space<hbm>>) target_semaphore(%run_scoped3A : memref<!tpu.dma_semaphore, #tpu.memory_space<semaphore_mem>>)
      %dma_wait3A_66 = arith.constant 0 : i32
      %dma_wait3A_67 = tpu.memref_slice %arg5[%add3A, %dma_wait3A_66] : memref<32x16xf32, #tpu.memory_space<hbm>> -> memref<1x16xf32, #tpu.memory_space<hbm>>
      %dma_wait3A_68 = tpu.memref_squeeze %dma_wait3A_67 : memref<1x16xf32, #tpu.memory_space<hbm>> -> memref<16xf32, #tpu.memory_space<hbm>>
      %dma_wait3A_69 = arith.constant 0 : i32
      %dma_wait3A_70 = tpu.memref_slice %arg5[%add3A, %dma_wait3A_69] : memref<32x16xf32, #tpu.memory_space<hbm>> -> memref<1x16xf32, #tpu.memory_space<hbm>>
      %dma_wait3A_71 = tpu.memref_squeeze %dma_wait3A_70 : memref<1x16xf32, #tpu.memory_space<hbm>> -> memref<16xf32, #tpu.memory_space<hbm>>
      tpu.wait_dma2 semaphore(%run_scoped3A : memref<!tpu.dma_semaphore, #tpu.memory_space<semaphore_mem>>) src(%arg9 : memref<16xf32, #tpu.memory_space<vmem>>) dst(%dma_wait3A_71 : memref<16xf32, #tpu.memory_space<hbm>>)
      tpu.yield
    }) : () -> ()
    return
  }
}

</mosaic_0001>

<sc_bundles>
// kernel: kernel.3.cloned.1.call-start
scs
__scs_entry_jumppad:
0x0: {  	(pc) =	sbr.rel $0x88, $3  }
0x1: {  	(tag) =	ssettag $0x0;
	lr =	simm.s32 $0x1  }
0x2: {  	[smem:$0x3F9E] =	sst lr;
	_ =	strace $0xD0000000  }
0x3: {  	_ = 	snop  }
0x4: {  	_ = 	snop  }
0x5: {  	_ = 	snop  }
0x6: {  	_ = 	snop  }
0x7: {  	_ = 	snop  }
__scs_overlays_trampoline_lowered:
0x8: {  	[smem:$0x3FAD] =	sst s0  }
0x9: {  	[smem:$0x3FAE] =	sst s1  }
0xa: {  	[smem:$0x3FAF] =	sst s2  }
0xb: {  	[smem:$0x3FB0] =	sst s3  }
0xc: {  	[smem:$0x3FB1] =	sst s4  }
0xd: {  	[smem:$0x3FB2] =	sst s5  }
0xe: {  	[smem:$0x3FB3] =	sst s6  }
0xf: {  	[smem:$0x3FB4] =	sst s7  }
0x10: {  	[smem:$0x3FB5] =	sst s8  }
0x11: {  	[smem:$0x3FB6] =	sst s9;
	s0 =	simm.s32 @!p0 $0x0  }
0x12: {  	s1 =	sld [smem:$0x3F9C];
	s0 =	simm.s32 @p0 $0x1  }
0x13: {  	[smem:$0x3FB7] =	sst s0;
	s0 =	simm.s32 @!p1 $0x0  }
0x14: {  	s2 =	sld [smem:$0x3F9B];
	s0 =	simm.s32 @p1 $0x1  }
0x15: {  	[smem:$0x3FB8] =	sst s0;
	s0 =	simm.s32 @!p2 $0x0  }
0x16: {  	s3 =	sld [smem:$0x3FDB];
	s0 =	simm.s32 @p2 $0x1  }
0x17: {  	s4 =	simm.s32 $0x1BF5;
	[smem:$0x3FBA] =	sst s0  }
0x18: {  	s0 =	sld [smem:$0x3F9D];
	_ =	swait.ge [sflag:s4], $0x0  }
0x19: {  	s7 =	sld [smem:$0x3F9E]  }
0x1a: {  	s8 =	sadd.s32 $0xFFFFE003, lr  }
0x1b: {  	s9 =	sadd.s32 $0xFFFFFEF7, lr;
	s5 =	simm.s32 $0xFFFFFFFF;
	p2 =	slt.u32 s8, $0xFFFFF086  }
0x1c: {  	p1 =	slt.u32 s9, $0xF7A;
	s5 =	simm.s32 @!p2 $0x0  }
0x1d: {  	s5 =	simm.s32 @p1 $0x1;
	p0 =	seq.s32 s7, s2  }
0x1e: {  	s7 =	smul.u32 @!p0 $0xF7A, s2;
	p2 =	seq.s32 @!p0 s5, $0x0  }
0x1f: {  	s9 =	smul.u32 $0xF7A, s1;
	s8 =	simm.s32 @!p0 $0x1BF5;
	p2 =	por !p2, p0  }
0x20: {  	[sflag:s8] =	ssyncset.s32 @!p0 $0xFFFFF086;
	s6 =	sadd.s32 @!p0 s3, s7;
	s7 =	simm.s32 @!p0 $0x108  }
0x21: {  	s3 =	sadd.s32 s3, s9;
	s6 =	sadd.s32 @!p0 $0x88, s6;
	s7 =	simm.s32 @p2 $0x1082  }
0x22: {  	[simem:s7], [sflag:s8] =	dma.local @!p0 [hbm:s6], $0xF7A  }
0x23: {  	s9 =	sor.u32 $0xD0000000, s2;
	s6 =	simm.s32 $0x108;
	_ =	swait.ge @!p0 [sflag:s8], $0x0  }
0x24: {  	s3 =	sadd.s32 $0x88, s3;
	s6 =	simm.s32 @!p1 $0x1082;
	[sflag:s4] =	ssyncset.s32 $0xFFFFF086  }
0x25: {  	[simem:s6], [sflag:s4] =	dma.local [hbm:s3], $0xF7A  }
0x26: {  	[smem:$0x3F9E] =	sst s1;
	(tag) =	ssettag s2;
	_ =	strace s9  }
0x27: {  	s1 =	sld [smem:$0x3FAE]  }
0x28: {  	s2 =	sld [smem:$0x3FAF]  }
0x29: {  	s4 =	sld [smem:$0x3FB1]  }
0x2a: {  	p0 =	seq.s32 s5, $0x0;
	s5 =	sld [smem:$0x3FB2]  }
0x2b: {  	s6 =	sld [smem:$0x3FB3]  }
0x2c: {  	s7 =	sld [smem:$0x3FB4]  }
0x2d: {  	s3 =	simm.s32 $0x108;
	s8 =	sld [smem:$0x3FB5]  }
0x2e: {  	s3 =	simm.s32 @!p0 $0x1082;
	s9 =	sld [smem:$0x3FB6]  }
0x2f: {  	lr =	sadd.s32 s0, s3;
	s0 =	sld [smem:$0x3FAD]  }
0x30: {  	s3 =	sld [smem:$0x3FB0]  }
0x31: {  	[smem:$0x3FB9] =	sst s10  }
0x32: {  	s10 =	sld [smem:$0x3FB7];
	_ =	sdelay $0x3  }
0x33: {  	p0 =	seq.s32 s10, $0x1;
	s10 =	sld [smem:$0x3FB9];
	_ =	sdelay $0x3  }
0x34: {  	[smem:$0x3FB9] =	sst s10  }
0x35: {  	s10 =	sld [smem:$0x3FB8];
	_ =	sdelay $0x3  }
0x36: {  	p1 =	seq.s32 s10, $0x1;
	s10 =	sld [smem:$0x3FB9];
	_ =	sdelay $0x3  }
0x37: {  	[smem:$0x3FB9] =	sst s10  }
0x38: {  	s10 =	sld [smem:$0x3FBA]  }
0x39: {  	_ = 	snop;
	(pc) =	sbr.ind lr, $3  }
0x3a: {  	_ = 	snop  }
0x3b: {  	_ = 	snop  }
0x3c: {  	p2 =	seq.s32 s10, $0x1;
	s10 =	sld [smem:$0x3FB9]  }
0x3d: {  	_ =	shalt  }
0x3e: {  	_ =	shalt  }
0x3f: {  	_ =	shalt  }
0x40: {  	_ =	shalt  }
0x41: {  	_ =	shalt  }
0x42: {  	_ =	shalt  }
0x43: {  	_ =	shalt  }
0x44: {  	_ =	shalt  }
0x45: {  	_ =	shalt  }
0x46: {  	_ =	shalt  }
0x47: {  	_ =	shalt  }
0x48: {  	_ =	shalt  }
0x49: {  	_ =	shalt  }
0x4a: {  	_ =	shalt  }
0x4b: {  	_ =	shalt  }
0x4c: {  	_ =	shalt  }
0x4d: {  	_ =	shalt  }
0x4e: {  	_ =	shalt  }
0x4f: {  	_ =	shalt  }
0x50: {  	_ =	shalt  }
0x51: {  	_ =	shalt  }
0x52: {  	_ =	shalt  }
0x53: {  	_ =	shalt  }
0x54: {  	_ =	shalt  }
0x55: {  	_ =	shalt  }
0x56: {  	_ =	shalt  }
0x57: {  	_ =	shalt  }
0x58: {  	_ =	shalt  }
0x59: {  	_ =	shalt  }
0x5a: {  	_ =	shalt  }
0x5b: {  	_ =	shalt  }
0x5c: {  	_ =	shalt  }
0x5d: {  	_ =	shalt  }
0x5e: {  	_ =	shalt  }
0x5f: {  	_ =	shalt  }
0x60: {  	_ =	shalt  }
0x61: {  	_ =	shalt  }
0x62: {  	_ =	shalt  }
0x63: {  	_ =	shalt  }
0x64: {  	_ =	shalt  }
0x65: {  	_ =	shalt  }
0x66: {  	_ =	shalt  }
0x67: {  	_ =	shalt  }
0x68: {  	_ =	shalt  }
0x69: {  	_ =	shalt  }
0x6a: {  	_ =	shalt  }
0x6b: {  	_ =	shalt  }
0x6c: {  	_ =	shalt  }
0x6d: {  	_ =	shalt  }
0x6e: {  	_ =	shalt  }
0x6f: {  	_ =	shalt  }
0x70: {  	_ =	shalt  }
0x71: {  	_ =	shalt  }
0x72: {  	_ =	shalt  }
0x73: {  	_ =	shalt  }
0x74: {  	_ =	shalt  }
0x75: {  	_ =	shalt  }
0x76: {  	_ =	shalt  }
0x77: {  	_ =	shalt  }
0x78: {  	_ =	shalt  }
0x79: {  	_ =	shalt  }
0x7a: {  	_ =	shalt  }
0x7b: {  	_ =	shalt  }
0x7c: {  	_ =	shalt  }
0x7d: {  	_ =	shalt  }
0x7e: {  	_ =	shalt  }
0x7f: {  	_ =	shalt  }
0x80: {  	_ =	shalt  }
0x81: {  	_ =	shalt  }
0x82: {  	_ =	shalt  }
0x83: {  	_ =	shalt  }
0x84: {  	_ =	shalt  }
0x85: {  	_ =	shalt  }
0x86: {  	_ =	shalt  }
0x87: {  	_ =	shalt  }
.Lfunc_end0:
.L_simem_size_0:
called_computation_lowered:
.L_overlay_start_0:
0x88: {  	s2 =	sld [smem:$0x3FD9]  }
0x89: {  	s3 =	sld [smem:$0x3FFE];
	_ =	sdelay $0x1  }
0x8a: {  	s1 =	srdreg.scid  }
0x8b: {  	s0 =	sand.u32 $0x1, s1  }
0x8c: {  	s17 =	sshll.u32 s0, $0xA;
	s2 =	sadd.s32 s3, s2  }
0x8d: {  	s2 =	sadd.s32 s2, s17  }
0x8e: {  	[smem:$0x3FC5] =	sst s2  }
0x8f: {  	_ = 	snop  }
0x90: {  	s2 =	sld [smem:$0x3FC9]  }
0x91: {  	s18 =	sld [smem:$0x3FC8]  }
0x92: {  	s4 =	sld [smem:$0x3FC7];
	(tm) =	ssettm $0x1  }
0x93: {  	s5 =	sld [smem:$0x3FFB];
	_ =	sdelay $0x3  }
0x94: {  	_ =	strace s5  }
0x95: {  	s5 =	sld [smem:$0x3FFC];
	_ =	sdelay $0x3  }
0x96: {  	_ =	strace s5  }
0x97: {  	s5 =	sld [smem:$0x3FFD];
	_ =	sdelay $0x3  }
0x98: {  	_ =	strace s5  }
0x99: {  	_ =	strace $0x8FFFFFFF  }
0x9a: {  	s19 =	sld [smem:$0x3FDB];
	_ =	sdelay $0x1  }
0x9b: {  	s6 =	simm.s32 $_scs_section_size  }
0x9c: {  	s7 =	simm.s32 $_size__tile_overlayer_lowered;
	s8 =	simm.s32 $_tile_overlayer_lowered  }
0x9d: {  	s22 =	simm.s32 $0x1BFF;
	s21 =	sshll.u32 s8, $0x1;
	s5 =	sadd.s32 s6, s19  }
0x9e: {  	s9 =	simm.s32 $0x0;
	s20 =	sshll.u32 s7, $0x1;
	s7 =	sadd.s32 s21, s5  }
0x9f: {  	[timem:s9], [sflag:s22] =	dma.local [hbm:s7], s20  }
0xa0: {  	_ =	swait.ge [sflag:s22], s20  }
0xa1: {  	s6 =	ssub.s32 $0x0, s20;
	[sflag:s22] =	ssyncset.done $0x0  }
0xa2: {  	[sflag:s22] =	ssyncadd.s32 s6;
	_ =	sdelay $0x1  }
0xa3: {  	s23 =	simm.s32 $0x1B8B  }
0xa4: {  	_ =	swait.ge [sflag:s23], $0x1  }
0xa5: {  	[sflag:s23] =	ssyncset.done $0x0  }
0xa6: {  	s25 =	simm.s32 $0x1B8E;
	s24 =	sld [smem:$0x3FFE];
	[sflag:s23] =	ssyncadd.s32 $0xFFFFFFFF  }
0xa7: {  	s26 =	simm.s32 $execute0_lowered;
	[smem:$0x3FD2] =	sst s25  }
0xa8: {  	s7 =	sshll.u32 s26, $0x1;
	_ =	strace $0x80000046;
	[dreg:$0x1] =	wrdreg $0xFFFFFFFF  }
0xa9: {  	s28 =	simm.s32 $_size_execute0_lowered;
	s5 =	sadd.s32 s5, s7;
	[dreg:$0x0] =	wrdreg $0x0  }
0xaa: {  	s7 =	sshll.u32 s28, $0x1;
	[dreg:$0x2] =	wrdreg s5  }
0xab: {  	[dreg:$0x3] =	wrdreg s7  }
0xac: {  	[dreg:$0x4] =	wrdreg $0xC0  }
0xad: {  	_ =	task [dreg:s9], $0x5FFFF  }
0xae: {  	[dreg:$0x1] =	wrdreg $0xFFFFFFFF  }
0xaf: {  	[dreg:$0x0] =	wrdreg $0x60  }
0xb0: {  	[dreg:$0x2] =	wrdreg s2  }
0xb1: {  	[dreg:$0x3] =	wrdreg s18  }
0xb2: {  	[dreg:$0x4] =	wrdreg s4  }
0xb3: {  	[dreg:$0x5] =	wrdreg s24  }
0xb4: {  	[dreg:$0x6] =	wrdreg $0x9  }
0xb5: {  	_ =	task.clear_ibuf [dreg:s9], $0x7FFFF;
	_ =	strace $0x90000046  }
0xb6: {  	s29 =	simm.s32 $0x9;
	_ =	strace $0x80000048  }
0xb7: {  	_ =	swait.ge [sflag:s29], $0x1  }
0xb8: {  	[sflag:s29] =	ssyncadd.s32 $0xFFFFFFFF  }
0xb9: {  	_ =	strace $0x90000048  }
0xba: {  	_ =	sfence  }
0xbb: {  	s30 =	sld [smem:$0x0];
	_ =	sdelay $0x2  }
0xbc: {  	s31 =	sshll.u32 s1, $0xD;
	s1 =	sshrl.u32 s1, $0x2  }
0xbd: {  	s3 =	sand.u32 $0x4000, s31;
	s1 =	sadd.s32 s1, s30  }
0xbe: {  	s0 =	sor.u32 s3, s0;
	s1 =	sshll.u32 s1, $0x11  }
0xbf: {  	s0 =	sor.u32 s1, s0  }
0xc0: {  	s0 =	sadd.s32 $0x8F2B, s0  }
0xc1: {  	[sflag:s0] =	ssyncadd.remote.s32 $0x1  }
0xc2: {  	_ =	sfence.sel $0xFFFF  }
0xc3: {  	[dreg:$0x0] =	wrdreg $0xFFFFFFFF;
	(pc) =	sbr.abs _section_cstart, $3  }
0xc4: {  	[dreg:$0x1] =	wrdreg $0xFFFFFFFF  }
0xc5: {  	_ =	task.clear_ibuf [dreg:s9], $0x2FFFF;
	_ =	strace $0x9FFFFFFF  }
0xc6: {  	(tm) =	ssettm $0x7FFFFFFF  }
0xc7: {  	_ =	shalt  }
tec
execute0_lowered:
.L_overlay_start_1:
0x0: {  	(tag) =	ssettag $0x1  }
0x1: {  	s4 =	rddreg [dreg:$0x0]  }
0x2: {  	s5 =	rddreg [dreg:$0x1]  }
0x3: {  	s2 =	rddreg [dreg:$0x2]  }
0x4: {  	s7 =	rddreg [dreg:$0x3];
	s3 =	srdreg.scid  }
0x5: {  	s0 =	rddreg [dreg:$0x4];
	s1 =	stileid.u32;
	s11 =	simm.s32 $0x2200  }
0x6: {  	s12 =	simm.s32 $0x200;
	s13 =	simm.s32 $0x1200;
	s14 =	simm.s32 $0xA00  }
0x7: {  	s15 =	simm.s32 $0x1A00;
	s16 =	simm.s32 $0x1;
	s17 =	simm.s32 $0x2  }
0x8: {  	s18 =	simm.s32 $0x3;
	s19 =	simm.s32 $0x4;
	s20 =	simm.s32 $0x2A00  }
0x9: {  	s21 =	simm.s32 $0x5;
	s22 =	simm.s32 $0x0;
	s6 =	sand.u32 $0x1, s3  }
0xa: {  	s3 =	simm.s32 $0x0;
	s9 =	sshll.u32 s1, $0x1;
	s8 =	ssub.s32 $0x2, s6  }
0xb: {  	[smem:$0x7FF] =	sst s3;
	s6 =	sor.u32 s6, s9;
	s10 =	sshrl.u32 s8, $0x1  }
0xc: {  	_ =	strace $0x80000047;
	s9 =	sshll.u32 s6, $0x9;
	s30 =	sshll.u32 s6, $0x6  }
0xd: {  	s31 =	sshll.u32 s6, $0x4;
	s8 =	ssub.s32 s8, s10;
	s4 =	sadd.s32 s4, s9  }
0xe: {  	s5 =	sadd.s32 s5, s30;
	s7 =	sadd.s32 s7, s31;
	s6 =	sadd.s32 $0x100, s4  }
0xf: {  	s8 =	smax.u32 s8, $0x1;
	s9 =	sadd.s32 $0x4000, s4;
	s10 =	sadd.s32 $0x4100, s4  }
.LBB2_1:
0x10: {  	[tilespmem:s11], [sflag:$0x1] =	stream.linear.gather [hbm4b:s2+s3], $0x800, $0x38;
	[tilespmem:$0x2A80] =	vst v63  }
0x11: {  	_ = 	snop  }
0x12: {  	[tilespmem:s3], [sflag:$0x2] =	stream.linear.gather [hbm4b:s5+s3], $0x200, $0x38;
	[tilespmem:$0x2A80] =	vst v63  }
0x13: {  	_ = 	snop  }
0x14: {  	[tilespmem:s12], [sflag:$0x3] =	stream.linear.gather [hbm4b:s4+s3], $0x800, $0x38;
	[tilespmem:$0x2A80] =	vst v63  }
0x15: {  	_ = 	snop  }
0x16: {  	[tilespmem:s13], [sflag:$0x3] =	stream.linear.gather [hbm4b:s9+s3], $0x800, $0x38;
	[tilespmem:$0x2A80] =	vst v63  }
0x17: {  	_ = 	snop  }
0x18: {  	[tilespmem:s14], [sflag:$0x4] =	stream.linear.gather [hbm4b:s6+s3], $0x800, $0x38;
	[tilespmem:$0x2A80] =	vst v63  }
0x19: {  	_ = 	snop  }
0x1a: {  	[tilespmem:s15], [sflag:$0x4] =	stream.linear.gather [hbm4b:s10+s3], $0x800, $0x38;
	[tilespmem:$0x2A80] =	vst v63  }
0x1b: {  	_ =	swait.ge [sflag:s16], $0x800  }
0x1c: {  	[sflag:s16] =	ssyncset.done $0x0  }
0x1d: {  	[sflag:s16] =	ssyncadd.s32 $0xFFFFF800  }
0x1e: {  	_ =	swait.ge [sflag:s17], $0x200  }
0x1f: {  	[sflag:s17] =	ssyncset.done $0x0  }
0x20: {  	[sflag:s17] =	ssyncadd.s32 $0xFFFFFE00  }
0x21: {  	_ =	swait.ge [sflag:s18], $0x1000  }
0x22: {  	[sflag:s18] =	ssyncset.done $0x0  }
0x23: {  	[sflag:s18] =	ssyncadd.s32 $0xFFFFF000  }
0x24: {  	_ =	swait.ge [sflag:s19], $0x1000  }
0x25: {  	s23 =	simm.s32 $0x0;
	[sflag:s19] =	ssyncset.done $0x0  }
0x26: {  	s25 =	sand.u32 $0xC00, s3;
	s24 =	sand.u32 $0x70, s23;
	[sflag:s19] =	ssyncadd.s32 $0xFFFFF000  }
0x27: {  	s24 =	sor.u32 s24, s25;
	v1 =	vld [tilespmem:s3+$0x0]  }
0x28: {  	v2 =	vld [tilespmem:s24+$0x1200]  }
0x29: {  	v3 =	vld [tilespmem:s24+$0x1280]  }
0x2a: {  	v4 =	vld [tilespmem:s24+$0x1300]  }
0x2b: {  	v6 =	vld [tilespmem:s24+$0x1380]  }
0x2c: {  	v8 =	vld [tilespmem:s24+$0x1400]  }
0x2d: {  	v9 =	vld [tilespmem:s24+$0x1480]  }
0x2e: {  	v12 =	vld [tilespmem:s24+$0x1500]  }
0x2f: {  	v0 =	vld [tilespmem:s24+$0x1580]  }
0x30: {  	v11 =	vld [tilespmem:s24+$0x200]  }
0x31: {  	v16 =	vld [tilespmem:s24+$0x280]  }
0x32: {  	v14 =	vld [tilespmem:s24+$0x300]  }
0x33: {  	v15 =	vld [tilespmem:s24+$0x380];
	v5 =	vadd.s32 $0x400, v1  }
0x34: {  	v13 =	vld [tilespmem:s24+$0x400];
	v17 =	vadd.s32 $0x480, v1  }
0x35: {  	v10 =	vld [tilespmem:s24+$0x480];
	v18 =	vadd.s32 $0x500, v1  }
0x36: {  	v7 =	vld [tilespmem:s24+$0x500];
	v19 =	vadd.s32 $0x580, v1  }
0x37: {  	v21 =	vadd.s32 $0x600, v1;
	v20 =	vld.idx.msk [tilespmem:v1+s11+$0x0], $0xffff  }
0x38: {  	v27 =	vadd.s32 $0x80, v1;
	v22 =	vld.idx.msk [tilespmem:v5+s11+$0x0], $0xffff  }
0x39: {  	v35 =	vadd.s32 $0x280, v1;
	v23 =	vld.idx.msk [tilespmem:v17+s11+$0x0], $0xffff  }
0x3a: {  	v5 =	vadd.s32 $0x680, v1;
	v18 =	vld.idx.msk [tilespmem:v18+s11+$0x0], $0xffff  }
0x3b: {  	v17 =	vadd.s32 $0x700, v1;
	v19 =	vld.idx.msk [tilespmem:v19+s11+$0x0], $0xffff  }
0x3c: {  	v26 =	vadd.s32 $0x780, v1;
	v33 =	vld.idx.msk [tilespmem:v21+s11+$0x0], $0xffff  }
0x3d: {  	v28 =	vadd.s32 $0x100, v1;
	v30 =	vld.idx.msk [tilespmem:v27+s11+$0x0], $0xffff  }
0x3e: {  	v21 =	vadd.s32 $0x180, v1;
	v32 =	vsub.f32 v11, v20;
	v20 =	vld.idx.msk [tilespmem:v35+s11+$0x0], $0xffff  }
0x3f: {  	v34 =	vadd.s32 $0x200, v1;
	v24 =	vld.idx.msk [tilespmem:v5+s11+$0x0], $0xffff  }
0x40: {  	v36 =	vadd.s32 $0x300, v1;
	v25 =	vld.idx.msk [tilespmem:v17+s11+$0x0], $0xffff  }
0x41: {  	v31 =	vadd.s32 $0x380, v1;
	v1 =	vimm.f32 $0.0e+00;
	v17 =	vld.idx.msk [tilespmem:v26+s11+$0x0], $0xffff  }
0x42: {  	v11 =	vimm.f32 $0.0e+00;
	v26 =	vld.idx.msk [tilespmem:v28+s11+$0x0], $0xffff;
	v28 =	vsub.f32 v2, v22;
	v29 =	vsub.f32 v3, v23  }
0x43: {  	v5 =	vimm.f32 $0.0e+00;
	v27 =	vld.idx.msk [tilespmem:v21+s11+$0x0], $0xffff;
	v22 =	vsub.f32 v4, v18;
	v21 =	vsub.f32 v6, v19  }
0x44: {  	v23 =	vld.idx.msk [tilespmem:v34+s11+$0x0], $0xffff;
	v18 =	vsub.f32 v8, v33;
	v8 =	vimm.f32 $0.0e+00;
	v6 =	vimm.f32 $0.0e+00  }
0x45: {  	s26 =	sor.u32 s3, s23;
	s25 =	simm.s32 $0x0;
	s24 =	simm.s32 $0x0;
	v3 =	vimm.f32 $0.0e+00;
	v19 =	vld.idx.msk [tilespmem:v36+s11+$0x0], $0xffff;
	v4 =	vimm.f32 $0.0e+00;
	v2 =	vimm.f32 $0.0e+00  }
.LBB2_2:
0x46: {  	s23 =	sadd.s32 $0x10, s23;
	v31 =	vld.idx.msk [tilespmem:v31+s11+$0x0], $0xffff;
	s26 =	sor.u32 $0x380, s26;
	v9 =	vsub.f32 v9, v24;
	v24 =	vsub.f32 v12, v25;
	s24 =	sadd.s32 $0x80, s24  }
0x47: {  	v12 =	vmul.f32 v32, v32;
	v16 =	vsub.f32 v16, v30;
	v17 =	vsub.f32 v0, v17;
	s25 =	sadd.s32 $0x10, s25;
	s28 =	sand.u32 $0x70, s23;
	s29 =	sand.u32 $0xC00, s24;
	v25 =	vld [tilespmem:s26+$0x200]  }
0x48: {  	v0 =	vsub.f32 v14, v26;
	p0 =	slt.u32 s23, $0x1F0;
	v14 =	vsub.f32 v15, v27;
	v15 =	vmul.f32 v28, v28;
	v32 =	vld [tilespmem:s25+$0x0];
	s26 =	sor.u32 s28, s29  }
0x49: {  	v22 =	vmul.f32 v22, v22;
	v13 =	vsub.f32 v13, v23;
	v23 =	vmul.f32 v29, v29;
	v28 =	vld [tilespmem:s26+$0x1200]  }
0x4a: {  	v18 =	vmul.f32 v18, v18;
	v10 =	vsub.f32 v10, v20;
	v20 =	vmul.f32 v21, v21;
	v29 =	vld [tilespmem:s26+$0x1280]  }
0x4b: {  	v16 =	vmul.f32 v16, v16;
	v7 =	vsub.f32 v7, v19;
	v19 =	vmul.f32 v9, v9;
	v21 =	vld [tilespmem:s26+$0x1300]  }
0x4c: {  	v0 =	vmul.f32 v0, v0;
	v14 =	vmul.f32 v14, v14;
	v33 =	vld [tilespmem:s26+$0x1380];
	v25 =	vsub.f32 v25, v31  }
0x4d: {  	v5 =	vadd.f32 v12, v5;
	v11 =	vadd.f32 v16, v11;
	v13 =	vmul.f32 v13, v13;
	v34 =	vld [tilespmem:s26+$0x1400]  }
0x4e: {  	v8 =	vadd.f32 v0, v8;
	v6 =	vadd.f32 v14, v6;
	v10 =	vmul.f32 v10, v10;
	v9 =	vld [tilespmem:s26+$0x1480]  }
0x4f: {  	v5 =	vadd.f32 v15, v5;
	v7 =	vmul.f32 v7, v7;
	v11 =	vadd.f32 v23, v11;
	v12 =	vld [tilespmem:s26+$0x1500]  }
0x50: {  	v8 =	vadd.f32 v22, v8;
	v6 =	vadd.f32 v20, v6;
	v14 =	vmul.f32 v25, v25;
	v0 =	vld [tilespmem:s26+$0x1580]  }
0x51: {  	v3 =	vadd.f32 v13, v3;
	v4 =	vadd.f32 v10, v4;
	v10 =	vmul.f32 v24, v24;
	v20 =	vld [tilespmem:s26+$0x200]  }
0x52: {  	v2 =	vadd.f32 v7, v2;
	v7 =	vmul.f32 v17, v17;
	v1 =	vadd.f32 v14, v1;
	v16 =	vld [tilespmem:s26+$0x280]  }
0x53: {  	v3 =	vadd.f32 v18, v3;
	v4 =	vadd.f32 v19, v4;
	v14 =	vld [tilespmem:s26+$0x300]  }
0x54: {  	v17 =	vadd.s32 $0x400, v32;
	v2 =	vadd.f32 v10, v2;
	v1 =	vadd.f32 v7, v1;
	v15 =	vld [tilespmem:s26+$0x380]  }
0x55: {  	v18 =	vadd.s32 $0x480, v32;
	v13 =	vld [tilespmem:s26+$0x400]  }
0x56: {  	v19 =	vadd.s32 $0x500, v32;
	v10 =	vld [tilespmem:s26+$0x480]  }
0x57: {  	v22 =	vadd.s32 $0x580, v32;
	v7 =	vld [tilespmem:s26+$0x500]  }
0x58: {  	v24 =	vadd.s32 $0x600, v32;
	v23 =	vld.idx.msk [tilespmem:v32+s11+$0x0], $0xffff  }
0x59: {  	v35 =	vld.idx.msk [tilespmem:v17+s11+$0x0], $0xffff;
	v17 =	vadd.s32 $0x680, v32  }
0x5a: {  	v25 =	vadd.s32 $0x700, v32;
	v18 =	vld.idx.msk [tilespmem:v18+s11+$0x0], $0xffff  }
0x5b: {  	v26 =	vadd.s32 $0x780, v32;
	v19 =	vld.idx.msk [tilespmem:v19+s11+$0x0], $0xffff  }
0x5c: {  	v27 =	vadd.s32 $0x80, v32;
	v36 =	vld.idx.msk [tilespmem:v22+s11+$0x0], $0xffff  }
0x5d: {  	v22 =	vadd.s32 $0x100, v32;
	v37 =	vld.idx.msk [tilespmem:v24+s11+$0x0], $0xffff  }
0x5e: {  	v38 =	vadd.s32 $0x180, v32;
	v24 =	vld.idx.msk [tilespmem:v17+s11+$0x0], $0xffff  }
0x5f: {  	v39 =	vadd.s32 $0x200, v32;
	v25 =	vld.idx.msk [tilespmem:v25+s11+$0x0], $0xffff  }
0x60: {  	v40 =	vadd.s32 $0x280, v32;
	v17 =	vld.idx.msk [tilespmem:v26+s11+$0x0], $0xffff  }
0x61: {  	v41 =	vadd.s32 $0x300, v32;
	v30 =	vld.idx.msk [tilespmem:v27+s11+$0x0], $0xffff  }
.Ltmp0:
0x62: {  	v31 =	vadd.s32 $0x380, v32;
	v26 =	vld.idx.msk [tilespmem:v22+s11+$0x0], $0xffff;
	(pc) =	sbr.rel @p0 .LBB2_2-.Ltmp0, $4  }
0x63: {  	v27 =	vld.idx.msk [tilespmem:v38+s11+$0x0], $0xffff  }
0x64: {  	v32 =	vsub.f32 v20, v23;
	v28 =	vsub.f32 v28, v35;
	v23 =	vld.idx.msk [tilespmem:v39+s11+$0x0], $0xffff  }
0x65: {  	v29 =	vsub.f32 v29, v18;
	v22 =	vsub.f32 v21, v19;
	v20 =	vld.idx.msk [tilespmem:v40+s11+$0x0], $0xffff  }
0x66: {  	s26 =	sor.u32 s24, s23;
	v21 =	vsub.f32 v33, v36;
	v18 =	vsub.f32 v34, v37;
	v19 =	vld.idx.msk [tilespmem:v41+s11+$0x0], $0xffff  }
0x67: {  	v16 =	vsub.f32 v16, v30  }
0x68: {  	v9 =	vsub.f32 v9, v24;
	v14 =	vsub.f32 v14, v26  }
0x69: {  	v12 =	vsub.f32 v12, v25;
	v53 =	vmul.f32 v32, v32;
	v16 =	vmul.f32 v16, v16  }
0x6a: {  	v54 =	vmul.f32 v28, v28;
	v15 =	vsub.f32 v15, v27;
	v14 =	vmul.f32 v14, v14  }
0x6b: {  	v55 =	vmul.f32 v29, v29;
	v5 =	vadd.f32 v53, v5;
	v11 =	vadd.f32 v16, v11  }
0x6c: {  	v56 =	vld.idx.msk [tilespmem:v31+s11+$0x0], $0xffff;
	s23 =	sor.u32 $0x380, s26;
	v13 =	vsub.f32 v13, v23;
	v15 =	vmul.f32 v15, v15;
	v8 =	vadd.f32 v14, v8  }
0x6d: {  	v22 =	vmul.f32 v22, v22;
	v57 =	vld [tilespmem:s23+$0x200];
	v5 =	vadd.f32 v54, v5;
	v11 =	vadd.f32 v55, v11  }
0x6e: {  	v10 =	vsub.f32 v10, v20;
	v13 =	vmul.f32 v13, v13;
	v6 =	vadd.f32 v15, v6  }
0x6f: {  	v58 =	vmul.f32 v21, v21;
	v8 =	vadd.f32 v22, v8;
	v5 =	vadd.f32 v11, v5  }
0x70: {  	v7 =	vsub.f32 v7, v19;
	v10 =	vmul.f32 v10, v10;
	v3 =	vadd.f32 v13, v3  }
0x71: {  	v59 =	vmul.f32 v18, v18;
	v6 =	vadd.f32 v58, v6;
	v5 =	vadd.f32 v8, v5  }
0x72: {  	v60 =	vsub.f32 v57, v56;
	v7 =	vmul.f32 v7, v7;
	v4 =	vadd.f32 v10, v4  }
0x73: {  	v9 =	vmul.f32 v9, v9;
	v3 =	vadd.f32 v59, v3;
	v5 =	vadd.f32 v6, v5  }
0x74: {  	v0 =	vsub.f32 v0, v17;
	v61 =	vmul.f32 v60, v60;
	v2 =	vadd.f32 v7, v2  }
0x75: {  	v62 =	vmul.f32 v12, v12;
	v4 =	vadd.f32 v9, v4;
	v3 =	vadd.f32 v3, v5  }
0x76: {  	v1 =	vadd.f32 v61, v1  }
0x77: {  	v0 =	vmul.f32 v0, v0;
	v2 =	vadd.f32 v62, v2;
	v3 =	vadd.f32 v4, v3;
	_ =	sdelay $0x1  }
0x78: {  	v0 =	vadd.f32 v0, v1;
	v63 =	vadd.f32 v2, v3;
	_ =	sdelay $0x1  }
0x79: {  	s22 =	sadd.s32 $0x1, s22;
	v0 =	vadd.f32 v0, v63  }
0x7a: {  	p0 =	sne.s32 s22, s8  }
.Ltmp1:
0x7b: {  	[tilespmem:$0x2A00] =	vst v0;
	(pc) =	sbr.rel @p0 .LBB2_1-.Ltmp1, $4  }
0x7c: {  	[hbm4b:s7+s3] =	stream.linear.scatter [tilespmem:s20], [sflag:$0x5], $0x80, $0x38;
	[tilespmem:$0x2A80] =	vst v63  }
0x7d: {  	_ =	swait.ge [sflag:s21], $0x80  }
0x7e: {  	[sflag:s21] =	ssyncset.done $0x0  }
0x7f: {  	[sflag:s21] =	ssyncadd.s32 $0xFFFFFF80  }
0x80: {  	_ =	sfence.sel $0x180000  }
0x81: {  	[bflag:$0x0] =	sbarrier.arrive $0xFFFF  }
0x82: {  	p0 =	sne.s32 s1, $0x0;
	_ =	strace $0x90000047  }
0x83: {  	s0 =	sadd.s32 @!p0 $0x100000, s0;
	[bflag:$0x2] =	sbarrier.arrive $0xFFFF  }
0x84: {  	[sflag:s0] =	ssyncadd.tile.s32 @!p0 $0x1;
	_ =	shalt  }
.Lfunc_end2:
_tile_overlayer_lowered:
.L_overlay_start_2:
0x85: {  	(tag) =	ssettag $0x2  }
0x86: {  	s0 =	rddreg [dreg:$0x0];
	s2 =	stileid.u32  }
0x87: {  	s1 =	rddreg [dreg:$0x1];
	p0 =	sne.s32 s2, $0x0  }
0x88: {  	s3 =	rddreg [dreg:$0x2];
	[bflag:$0x3] =	sbarrier.arrive $0xFFFF;
	s2 =	simm.s32 @!p0 $0x1C05  }
0x89: {  	[timem:s3], [sflag:s2] =	dma.local @!p0 [hbm:s0], s1  }
0x8a: {  	s0 =	simm.s32 @!p0 $0x5  }
0x8b: {  	_ =	swait.ge @!p0 [sflag:s0], s1  }
0x8c: {  	s1 =	ssub.s32 @!p0 $0x0, s1;
	[sflag:s0] =	ssyncset.done @!p0 $0x0  }
0x8d: {  	[sflag:s0] =	ssyncadd.s32 @!p0 s1  }
0x8e: {  	[bflag:$0x3] =	sbarrier.arrive $0xFFFF  }
0x8f: {  	_ =	shalt  }

</sc_bundles>
